<compile_context>
chip_gen: v7x
topology: tpu7x:2x2x1
jax: 0.10.2.dev20260603
libtpu: 0.0.44.dev20260713+nightly
codegen_flags: <defaults>
</compile_context>

<pallas_src>
import functools

import jax
import jax.numpy as jnp
from jax import lax
from jax.experimental import pallas as pl
from jax.experimental.pallas import tpu as pltpu
from jax.experimental.pallas import tpu_sc as plsc

_SCALE = 0.5
_ROWS_PER_BLOCK = 1024


def _tc_body(depth, in_ref, idx_ref, sv_ref):
    x = in_ref[...]
    r = x.shape[0]
    lx = x[:, :depth]
    vx = x[:, depth:2 * depth]
    cols = lax.broadcasted_iota(jnp.int32, (r, depth), 1)
    m = jnp.max(lx, axis=1, keepdims=True)
    idx = jnp.min(jnp.where(lx == m, cols, depth), axis=1, keepdims=True)
    onehot = cols == idx
    shift = jnp.sum(jnp.where(onehot, vx, 0.0), axis=1, keepdims=True)
    idx_ref[...] = idx
    sv_ref[...] = shift * _SCALE


def _tc_stage(inputs, depth):
    b, w = inputs.shape
    r = _ROWS_PER_BLOCK
    idx, sv = pl.pallas_call(
        functools.partial(_tc_body, depth),
        grid=(b // r,),
        in_specs=[pl.BlockSpec((r, w), lambda i: (i, 0))],
        out_specs=[
            pl.BlockSpec((r, 1), lambda i: (i, 0)),
            pl.BlockSpec((r, 1), lambda i: (i, 0)),
        ],
        out_shape=[
            jax.ShapeDtypeStruct((b, 1), jnp.int32),
            jax.ShapeDtypeStruct((b, 1), jnp.float32),
        ],
    )(inputs)
    return idx[:, 0], sv[:, 0]


def _sc_combine(idx, sv, anchor_tab, b):
    info = plsc.get_sparse_core_info()
    nc, ns = info.num_cores, info.num_subcores
    lanes = info.num_lanes
    nw = nc * ns
    nb = b // nw
    ch = nb
    nch = nb // ch
    mesh = plsc.VectorSubcoreMesh(core_axis_name="c", subcore_axis_name="s")

    @functools.partial(
        pl.kernel,
        mesh=mesh,
        out_type=jax.ShapeDtypeStruct((b,), jnp.float32),
        scratch_types=[
            pltpu.VMEM((nb,), jnp.int32),
            pltpu.VMEM((nb,), jnp.float32),
            pltpu.VMEM((nb,), jnp.float32),
            pltpu.SemaphoreType.DMA,
        ],
    )
    def sck(idx_hbm, sv_hbm, anc_hbm, out_hbm, idxv, svv, ancg, sem):
        wid = lax.axis_index("s") * nc + lax.axis_index("c")
        base = wid * nb
        pltpu.sync_copy(idx_hbm.at[pl.ds(base, nb)], idxv)

        descs = [
            pltpu.make_async_copy(
                anc_hbm.at[idxv.at[pl.ds(j * ch, ch)]],
                ancg.at[pl.ds(j * ch, ch)],
                sem,
            )
            for j in range(nch)
        ]
        for d in descs:
            d.start()
        pltpu.sync_copy(sv_hbm.at[pl.ds(base, nb)], svv)
        for d in descs:
            d.wait()

        def comb(j, carry):
            s = j * lanes
            ancg[pl.ds(s, lanes)] = ancg[pl.ds(s, lanes)] + svv[pl.ds(s, lanes)]
            return carry

        lax.fori_loop(0, nb // lanes, comb, 0)
        pltpu.sync_copy(ancg, out_hbm.at[pl.ds(base, nb)])

    return sck(idx, sv, anchor_tab)


def kernel(inputs, degAnchor):
    b, _ = inputs.shape
    depth = degAnchor.shape[0]
    tab = ((depth + 7) // 8) * 8
    anchor_tab = jnp.zeros((tab,), jnp.float32).at[:depth].set(degAnchor)
    idx, sv = _tc_stage(inputs, depth)
    return _sc_combine(idx, sv, anchor_tab, b)

# --- scband reference (transcript-rebuilt; emitter-appended) ---
"""Pipeline reference for scband-rot-anchor-80994493268173 (READ-ONLY COPY).

The authoritative reference and input builder live on the scoring server;
editing this copy changes nothing except your own understanding.
"""

import jax, jax.numpy as jnp
import numpy as np

DEG_MIN = -180
DEG_MAX = 180
DEG_PART_SIZE = 1
DEG_VALUE_SCALE = float(DEG_PART_SIZE) / 2.0


def setup_inputs(seed: int = 0) -> dict:
    key = jax.random.key(seed)
    k1, = jax.random.split(key, 1)
    deg_anchor = jnp.arange(DEG_MIN, DEG_MAX + DEG_PART_SIZE, DEG_PART_SIZE).astype(jnp.float32)  # [361]
    depth = deg_anchor.shape[0]
    inputs = jax.random.normal(k1, (65536, 2 * depth), dtype=jnp.float32)
    return {"inputs": inputs, "degAnchor": deg_anchor}


def reference(inputs, degAnchor):
    depth = degAnchor.shape[0]
    # idx = argmax over the part (classification) logits
    idx = jnp.argmax(inputs[:, :depth], axis=1)  # [B] int
    # gather per-row shift value at idx from the value half
    shift = jnp.take_along_axis(inputs[:, depth:], idx[:, None], axis=1)[:, 0]  # [B]
    return degAnchor[idx] + shift * DEG_VALUE_SCALE

if __name__ == "__main__":
    import jax
    _d = setup_inputs()
    print(jax.jit(kernel)(*tuple(_d.values())))

</pallas_src>

<mosaic_0001>
#map = affine_map<(d0, d1) -> (0)>
module attributes {stable_mosaic.version = 14 : i64} {
  func.func @sck(%arg0: i32, %arg1: i32, %arg2: memref<65536xi32, #tpu.memory_space<hbm>>, %arg3: memref<65536xf32, #tpu.memory_space<hbm>>, %arg4: memref<368xf32, #tpu.memory_space<hbm>>, %arg5: memref<65536xf32, #tpu.memory_space<hbm>>, %arg6: memref<2048xi32, #tpu.memory_space<vmem>>, %arg7: memref<2048xf32, #tpu.memory_space<vmem>>, %arg8: memref<2048xf32, #tpu.memory_space<vmem>>, %arg9: memref<!tpu.dma_semaphore, #tpu.memory_space<semaphore_mem>>) attributes {dimension_semantics = [#tpu.dimension_semantics<core_parallel>, #tpu.dimension_semantics<subcore_parallel>], iteration_bounds = array<i64: 2, 16>, scalar_prefetch = 0 : i64, scratch_operands = 4 : i64, tpu.core_type = #tpu.core_type<sc_vector_subcore>, window_params = [{transform_indices = #map}, {transform_indices = #map}, {transform_indices = #map}, {transform_indices = #map}]} {
    %mul3A = arith.constant 2 : i32
    %mul3A_0 = arith.muli %arg1, %mul3A : i32
    %add3A = arith.addi %mul3A_0, %arg0 : i32
    %mul3A_1 = arith.constant 2048 : i32
    %mul3A_2 = arith.muli %add3A, %mul3A_1 : i32
    "tpu.region"() ({
      %run_scoped3A = tpu.sem_alloc : memref<!tpu.dma_semaphore, #tpu.memory_space<semaphore_mem>>
      %dma_start3A_18 = tpu.memref_slice %arg2[%mul3A_2] : memref<65536xi32, #tpu.memory_space<hbm>> -> memref<2048xi32, #tpu.memory_space<hbm>>
      %dma_start3A_19 = tpu.memref_slice %arg2[%mul3A_2] : memref<65536xi32, #tpu.memory_space<hbm>> -> memref<2048xi32, #tpu.memory_space<hbm>>
      tpu.enqueue_dma source(%dma_start3A_19 : memref<2048xi32, #tpu.memory_space<hbm>>) target(%arg6 : memref<2048xi32, #tpu.memory_space<vmem>>) target_semaphore(%run_scoped3A : memref<!tpu.dma_semaphore, #tpu.memory_space<semaphore_mem>>)
      %dma_wait3A_20 = tpu.memref_slice %arg2[%mul3A_2] : memref<65536xi32, #tpu.memory_space<hbm>> -> memref<2048xi32, #tpu.memory_space<hbm>>
      %dma_wait3A_21 = tpu.memref_slice %arg2[%mul3A_2] : memref<65536xi32, #tpu.memory_space<hbm>> -> memref<2048xi32, #tpu.memory_space<hbm>>
      tpu.wait_dma2 semaphore(%run_scoped3A : memref<!tpu.dma_semaphore, #tpu.memory_space<semaphore_mem>>) src(%dma_wait3A_21 : memref<2048xi32, #tpu.memory_space<hbm>>) dst(%arg6 : memref<2048xi32, #tpu.memory_space<vmem>>)
      tpu.yield
    }) : () -> ()
    %dma_start3A = arith.constant 0 : i32
    %dma_start3A_3 = tpu.memref_slice %arg8[%dma_start3A] : memref<2048xf32, #tpu.memory_space<vmem>> -> memref<2048xf32, #tpu.memory_space<vmem>>
    %dma_start3A_4 = arith.constant 0 : i32
    %dma_start3A_5 = tpu.memref_slice %arg6[%dma_start3A_4] : memref<2048xi32, #tpu.memory_space<vmem>> -> memref<2048xi32, #tpu.memory_space<vmem>>
    %dma_start3A_6 = arith.constant 0 : i32
    %dma_start3A_7 = tpu.memref_slice %arg4[%dma_start3A_6] : memref<368xf32, #tpu.memory_space<hbm>> -> memref<368xf32, #tpu.memory_space<hbm>>
    tpu.enqueue_indirect_dma source(%dma_start3A_7 : memref<368xf32, #tpu.memory_space<hbm>>) target(%dma_start3A_3 : memref<2048xf32, #tpu.memory_space<vmem>>) offsets(%dma_start3A_5 : memref<2048xi32, #tpu.memory_space<vmem>>) semaphore(%arg9 : memref<!tpu.dma_semaphore, #tpu.memory_space<semaphore_mem>>)
    "tpu.region"() ({
      %run_scoped3A = tpu.sem_alloc : memref<!tpu.dma_semaphore, #tpu.memory_space<semaphore_mem>>
      %dma_start3A_18 = tpu.memref_slice %arg3[%mul3A_2] : memref<65536xf32, #tpu.memory_space<hbm>> -> memref<2048xf32, #tpu.memory_space<hbm>>
      %dma_start3A_19 = tpu.memref_slice %arg3[%mul3A_2] : memref<65536xf32, #tpu.memory_space<hbm>> -> memref<2048xf32, #tpu.memory_space<hbm>>
      tpu.enqueue_dma source(%dma_start3A_19 : memref<2048xf32, #tpu.memory_space<hbm>>) target(%arg7 : memref<2048xf32, #tpu.memory_space<vmem>>) target_semaphore(%run_scoped3A : memref<!tpu.dma_semaphore, #tpu.memory_space<semaphore_mem>>)
      %dma_wait3A_20 = tpu.memref_slice %arg3[%mul3A_2] : memref<65536xf32, #tpu.memory_space<hbm>> -> memref<2048xf32, #tpu.memory_space<hbm>>
      %dma_wait3A_21 = tpu.memref_slice %arg3[%mul3A_2] : memref<65536xf32, #tpu.memory_space<hbm>> -> memref<2048xf32, #tpu.memory_space<hbm>>
      tpu.wait_dma2 semaphore(%run_scoped3A : memref<!tpu.dma_semaphore, #tpu.memory_space<semaphore_mem>>) src(%dma_wait3A_21 : memref<2048xf32, #tpu.memory_space<hbm>>) dst(%arg7 : memref<2048xf32, #tpu.memory_space<vmem>>)
      tpu.yield
    }) : () -> ()
    %dma_wait3A = arith.constant 0 : i32
    %dma_wait3A_8 = tpu.memref_slice %arg8[%dma_wait3A] : memref<2048xf32, #tpu.memory_space<vmem>> -> memref<2048xf32, #tpu.memory_space<vmem>>
    %dma_wait3A_9 = arith.constant 0 : i32
    %dma_wait3A_10 = tpu.memref_slice %arg6[%dma_wait3A_9] : memref<2048xi32, #tpu.memory_space<vmem>> -> memref<2048xi32, #tpu.memory_space<vmem>>
    %dma_wait3A_11 = arith.constant 0 : i32
    %dma_wait3A_12 = tpu.memref_slice %arg4[%dma_wait3A_11] : memref<368xf32, #tpu.memory_space<hbm>> -> memref<368xf32, #tpu.memory_space<hbm>>
    tpu.wait_indirect_dma semaphore(%arg9 : memref<!tpu.dma_semaphore, #tpu.memory_space<semaphore_mem>>) src(%dma_wait3A_12 : memref<368xf32, #tpu.memory_space<hbm>>) dst(%dma_wait3A_8 : memref<2048xf32, #tpu.memory_space<vmem>>)
    %scan3A = arith.constant 0 : i32
    %scan3A_13 = arith.constant 0 : i32
    %scan3A_14 = arith.constant 128 : i32
    %scan3A_15 = arith.addi %scan3A_13, %scan3A_14 : i32
    %scan3A_16 = arith.constant 1 : i32
    scf.for %scan3A_18 = %scan3A_13 to %scan3A_15 step %scan3A_16  : i32 {
      %mul3A_19 = arith.constant 16 : i32
      %mul3A_20 = arith.muli %scan3A_18, %mul3A_19 : i32
      %get3A = arith.index_cast %mul3A_20 : i32 to index
      %get3A_21 = tpu.vector_load %arg8[%get3A] {strides = array<i32>} : memref<2048xf32, #tpu.memory_space<vmem>>, vector<16xf32>,
      %get3A_22 = vector.shape_cast %get3A_21 : vector<16xf32> to vector<16xf32>
      %get3A_23 = arith.index_cast %mul3A_20 : i32 to index
      %get3A_24 = tpu.vector_load %arg7[%get3A_23] {strides = array<i32>} : memref<2048xf32, #tpu.memory_space<vmem>>, vector<16xf32>,
      %get3A_25 = vector.shape_cast %get3A_24 : vector<16xf32> to vector<16xf32>
      %add3A_26 = arith.addf %get3A_22, %get3A_25 : vector<16xf32>
      %swap3A = arith.index_cast %mul3A_20 : i32 to index
      %swap3A_27 = tpu.vector_load %arg8[%swap3A] {strides = array<i32>} : memref<2048xf32, #tpu.memory_space<vmem>>, vector<16xf32>,
      %swap3A_28 = vector.shape_cast %swap3A_27 : vector<16xf32> to vector<16xf32>
      %swap3A_29 = vector.shape_cast %add3A_26 : vector<16xf32> to vector<16xf32>
      tpu.vector_store %arg8[%swap3A], %swap3A_29 {strides = array<i32>} : memref<2048xf32, #tpu.memory_space<vmem>>, vector<16xf32>,
    }
    %scan3A_17 = arith.constant 128 : i32
    "tpu.region"() ({
      %run_scoped3A = tpu.sem_alloc : memref<!tpu.dma_semaphore, #tpu.memory_space<semaphore_mem>>
      %dma_start3A_18 = tpu.memref_slice %arg5[%mul3A_2] : memref<65536xf32, #tpu.memory_space<hbm>> -> memref<2048xf32, #tpu.memory_space<hbm>>
      %dma_start3A_19 = tpu.memref_slice %arg5[%mul3A_2] : memref<65536xf32, #tpu.memory_space<hbm>> -> memref<2048xf32, #tpu.memory_space<hbm>>
      tpu.enqueue_dma source(%arg8 : memref<2048xf32, #tpu.memory_space<vmem>>) target(%dma_start3A_19 : memref<2048xf32, #tpu.memory_space<hbm>>) target_semaphore(%run_scoped3A : memref<!tpu.dma_semaphore, #tpu.memory_space<semaphore_mem>>)
      %dma_wait3A_20 = tpu.memref_slice %arg5[%mul3A_2] : memref<65536xf32, #tpu.memory_space<hbm>> -> memref<2048xf32, #tpu.memory_space<hbm>>
      %dma_wait3A_21 = tpu.memref_slice %arg5[%mul3A_2] : memref<65536xf32, #tpu.memory_space<hbm>> -> memref<2048xf32, #tpu.memory_space<hbm>>
      tpu.wait_dma2 semaphore(%run_scoped3A : memref<!tpu.dma_semaphore, #tpu.memory_space<semaphore_mem>>) src(%arg8 : memref<2048xf32, #tpu.memory_space<vmem>>) dst(%dma_wait3A_21 : memref<2048xf32, #tpu.memory_space<hbm>>)
      tpu.yield
    }) : () -> ()
    return
  }
}

module attributes {stable_mosaic.version = 14 : i64} {
  func.func @_tc_body(%arg0: i32, %arg1: memref<1024x722xf32, #tpu.memory_space<vmem>>, %arg2: memref<1024x1xi32, #tpu.memory_space<vmem>>, %arg3: memref<1024x1xf32, #tpu.memory_space<vmem>>) attributes {dimension_semantics = [#tpu.dimension_semantics<arbitrary>], iteration_bounds = array<i64: 64>, scalar_prefetch = 0 : i64, scratch_operands = 0 : i64, tpu.core_type = #tpu.core_type<tc>, window_params = [{transform_indices = @transform_0, window_bounds = array<i64: 1024, 722>}, {transform_indices = @transform_1, window_bounds = array<i64: 1024, 1>}, {transform_indices = @transform_2, window_bounds = array<i64: 1024, 1>}]} {
    %get3A = arith.constant 0 : index
    %get3A_0 = arith.constant 0 : index
    %get3A_1 = vector.load %arg1[%get3A, %get3A_0] : memref<1024x722xf32, #tpu.memory_space<vmem>>, vector<1024x722xf32>
    %slice3A = vector.extract_strided_slice %get3A_1 {offsets = [0, 0], sizes = [1024, 361], strides = [1, 1]} : vector<1024x722xf32> to vector<1024x361xf32>
    %slice3A_2 = vector.extract_strided_slice %get3A_1 {offsets = [0, 361], sizes = [1024, 361], strides = [1, 1]} : vector<1024x722xf32> to vector<1024x361xf32>
    %iota3A = tpu.iota {dimensions = array<i32: 1>} : vector<1024x361xi32>
    %reduce_max3A = arith.constant dense<0xFF800000> : vector<1024xf32>
    %reduce_max3A_3 = vector.multi_reduction <maximumf>, %slice3A, %reduce_max3A [1] : vector<1024x361xf32> to vector<1024xf32>
    %broadcast_in_dim3A = vector.shape_cast %reduce_max3A_3 : vector<1024xf32> to vector<1024x1xf32>
    %eq3A = vector.broadcast %broadcast_in_dim3A : vector<1024x1xf32> to vector<1024x361xf32>
    %eq3A_4 = arith.cmpf oeq, %slice3A, %eq3A : vector<1024x361xf32>
    %jit3A = arith.constant 361 : i32
    %broadcast_in_dim3A_5 = vector.broadcast %jit3A : i32 to vector<1024x361xi32>
    %select_n3A = arith.select %eq3A_4, %iota3A, %broadcast_in_dim3A_5 : vector<1024x361xi1>, vector<1024x361xi32>
    %reduce_min3A = arith.constant dense<2147483647> : vector<1024xi32>
    %reduce_min3A_6 = vector.multi_reduction <minsi>, %select_n3A, %reduce_min3A [1] : vector<1024x361xi32> to vector<1024xi32>
    %broadcast_in_dim3A_7 = vector.shape_cast %reduce_min3A_6 : vector<1024xi32> to vector<1024x1xi32>
    %eq3A_8 = vector.broadcast %broadcast_in_dim3A_7 : vector<1024x1xi32> to vector<1024x361xi32>
    %eq3A_9 = arith.cmpi eq, %iota3A, %eq3A_8 : vector<1024x361xi32>
    %jit3A_10 = arith.constant 0.000000e+00 : f32
    %broadcast_in_dim3A_11 = vector.broadcast %jit3A_10 : f32 to vector<1024x361xf32>
    %select_n3A_12 = arith.select %eq3A_9, %slice3A_2, %broadcast_in_dim3A_11 : vector<1024x361xi1>, vector<1024x361xf32>
    %reduce_sum3A = arith.constant dense<0.000000e+00> : vector<1024xf32>
    %reduce_sum3A_13 = vector.multi_reduction <add>, %select_n3A_12, %reduce_sum3A [1] : vector<1024x361xf32> to vector<1024xf32>
    %broadcast_in_dim3A_14 = vector.shape_cast %reduce_sum3A_13 : vector<1024xf32> to vector<1024x1xf32>
    %swap3A = arith.constant 0 : index
    %swap3A_15 = arith.constant 0 : index
    %swap3A_16 = vector.load %arg2[%swap3A, %swap3A_15] : memref<1024x1xi32, #tpu.memory_space<vmem>>, vector<1024x1xi32>
    tpu.vector_store %arg2[%swap3A, %swap3A_15], %broadcast_in_dim3A_7 {strides = array<i32>} : memref<1024x1xi32, #tpu.memory_space<vmem>>, vector<1024x1xi32>,
    %mul3A = arith.constant 5.000000e-01 : f32
    %mul3A_17 = vector.broadcast %mul3A : f32 to vector<1024x1xf32>
    %mul3A_18 = arith.mulf %broadcast_in_dim3A_14, %mul3A_17 : vector<1024x1xf32>
    %swap3A_19 = arith.constant 0 : index
    %swap3A_20 = arith.constant 0 : index
    %swap3A_21 = vector.load %arg3[%swap3A_19, %swap3A_20] : memref<1024x1xf32, #tpu.memory_space<vmem>>, vector<1024x1xf32>
    tpu.vector_store %arg3[%swap3A_19, %swap3A_20], %mul3A_18 {strides = array<i32>} : memref<1024x1xf32, #tpu.memory_space<vmem>>, vector<1024x1xf32>,
    return
  }
  func.func @transform_0(%arg0: i32) -> (i32, i32) {
    %c0_i32 = arith.constant 0 : i32
    %c0_i32_0 = arith.constant 0 : i32
    return %arg0, %c0_i32 : i32, i32
  }
  func.func @transform_1(%arg0: i32) -> (i32, i32) {
    %c0_i32 = arith.constant 0 : i32
    %c0_i32_0 = arith.constant 0 : i32
    return %arg0, %c0_i32 : i32, i32
  }
  func.func @transform_2(%arg0: i32) -> (i32, i32) {
    %c0_i32 = arith.constant 0 : i32
    %c0_i32_0 = arith.constant 0 : i32
    return %arg0, %c0_i32 : i32, i32
  }
}

</mosaic_0001>

<sc_bundles>
// kernel: kernel.4.cloned.1.call-start
scs
__scs_entry_jumppad:
0x0: {  	(pc) =	sbr.rel $0x88, $3  }
0x1: {  	(tag) =	ssettag $0x0;
	lr =	simm.s32 $0x1  }
0x2: {  	[smem:$0x3F9F] =	sst lr;
	_ =	strace $0xD0000000  }
0x3: {  	_ = 	snop  }
0x4: {  	_ = 	snop  }
0x5: {  	_ = 	snop  }
0x6: {  	_ = 	snop  }
0x7: {  	_ = 	snop  }
__scs_overlays_trampoline_lowered:
0x8: {  	[smem:$0x3FAE] =	sst s0  }
0x9: {  	[smem:$0x3FAF] =	sst s1  }
0xa: {  	[smem:$0x3FB0] =	sst s2  }
0xb: {  	[smem:$0x3FB1] =	sst s3  }
0xc: {  	[smem:$0x3FB2] =	sst s4  }
0xd: {  	[smem:$0x3FB3] =	sst s5  }
0xe: {  	[smem:$0x3FB4] =	sst s6  }
0xf: {  	[smem:$0x3FB5] =	sst s7  }
0x10: {  	[smem:$0x3FB6] =	sst s8  }
0x11: {  	[smem:$0x3FB7] =	sst s9;
	s0 =	simm.s32 @!p0 $0x0  }
0x12: {  	s1 =	sld [smem:$0x3F9D];
	s0 =	simm.s32 @p0 $0x1  }
0x13: {  	[smem:$0x3FB8] =	sst s0;
	s0 =	simm.s32 @!p1 $0x0  }
0x14: {  	s2 =	sld [smem:$0x3F9C];
	s0 =	simm.s32 @p1 $0x1  }
0x15: {  	[smem:$0x3FB9] =	sst s0;
	s0 =	simm.s32 @!p2 $0x0  }
0x16: {  	s3 =	sld [smem:$0x3FDB];
	s0 =	simm.s32 @p2 $0x1  }
0x17: {  	s4 =	simm.s32 $0x1BF5;
	[smem:$0x3FBB] =	sst s0  }
0x18: {  	s0 =	sld [smem:$0x3F9E];
	_ =	swait.ge [sflag:s4], $0x0  }
0x19: {  	s7 =	sld [smem:$0x3F9F]  }
0x1a: {  	s8 =	sadd.s32 $0xFFFFE003, lr  }
0x1b: {  	s9 =	sadd.s32 $0xFFFFFEF7, lr;
	s5 =	simm.s32 $0xFFFFFFFF;
	p2 =	slt.u32 s8, $0xFFFFF086  }
0x1c: {  	p1 =	slt.u32 s9, $0xF7A;
	s5 =	simm.s32 @!p2 $0x0  }
0x1d: {  	s5 =	simm.s32 @p1 $0x1;
	p0 =	seq.s32 s7, s2  }
0x1e: {  	s7 =	smul.u32 @!p0 $0xF7A, s2;
	p2 =	seq.s32 @!p0 s5, $0x0  }
0x1f: {  	s9 =	smul.u32 $0xF7A, s1;
	s8 =	simm.s32 @!p0 $0x1BF5;
	p2 =	por !p2, p0  }
0x20: {  	[sflag:s8] =	ssyncset.s32 @!p0 $0xFFFFF086;
	s6 =	sadd.s32 @!p0 s3, s7;
	s7 =	simm.s32 @!p0 $0x108  }
0x21: {  	s3 =	sadd.s32 s3, s9;
	s6 =	sadd.s32 @!p0 $0x88, s6;
	s7 =	simm.s32 @p2 $0x1082  }
0x22: {  	[simem:s7], [sflag:s8] =	dma.local @!p0 [hbm:s6], $0xF7A  }
0x23: {  	s9 =	sor.u32 $0xD0000000, s2;
	s6 =	simm.s32 $0x108;
	_ =	swait.ge @!p0 [sflag:s8], $0x0  }
0x24: {  	s3 =	sadd.s32 $0x88, s3;
	s6 =	simm.s32 @!p1 $0x1082;
	[sflag:s4] =	ssyncset.s32 $0xFFFFF086  }
0x25: {  	[simem:s6], [sflag:s4] =	dma.local [hbm:s3], $0xF7A  }
0x26: {  	[smem:$0x3F9F] =	sst s1;
	(tag) =	ssettag s2;
	_ =	strace s9  }
0x27: {  	s1 =	sld [smem:$0x3FAF]  }
0x28: {  	s2 =	sld [smem:$0x3FB0]  }
0x29: {  	s4 =	sld [smem:$0x3FB2]  }
0x2a: {  	p0 =	seq.s32 s5, $0x0;
	s5 =	sld [smem:$0x3FB3]  }
0x2b: {  	s6 =	sld [smem:$0x3FB4]  }
0x2c: {  	s7 =	sld [smem:$0x3FB5]  }
0x2d: {  	s3 =	simm.s32 $0x108;
	s8 =	sld [smem:$0x3FB6]  }
0x2e: {  	s3 =	simm.s32 @!p0 $0x1082;
	s9 =	sld [smem:$0x3FB7]  }
0x2f: {  	lr =	sadd.s32 s0, s3;
	s0 =	sld [smem:$0x3FAE]  }
0x30: {  	s3 =	sld [smem:$0x3FB1]  }
0x31: {  	[smem:$0x3FBA] =	sst s10  }
0x32: {  	s10 =	sld [smem:$0x3FB8];
	_ =	sdelay $0x3  }
0x33: {  	p0 =	seq.s32 s10, $0x1;
	s10 =	sld [smem:$0x3FBA];
	_ =	sdelay $0x3  }
0x34: {  	[smem:$0x3FBA] =	sst s10  }
0x35: {  	s10 =	sld [smem:$0x3FB9];
	_ =	sdelay $0x3  }
0x36: {  	p1 =	seq.s32 s10, $0x1;
	s10 =	sld [smem:$0x3FBA];
	_ =	sdelay $0x3  }
0x37: {  	[smem:$0x3FBA] =	sst s10  }
0x38: {  	s10 =	sld [smem:$0x3FBB]  }
0x39: {  	_ = 	snop;
	(pc) =	sbr.ind lr, $3  }
0x3a: {  	_ = 	snop  }
0x3b: {  	_ = 	snop  }
0x3c: {  	p2 =	seq.s32 s10, $0x1;
	s10 =	sld [smem:$0x3FBA]  }
0x3d: {  	_ =	shalt  }
0x3e: {  	_ =	shalt  }
0x3f: {  	_ =	shalt  }
0x40: {  	_ =	shalt  }
0x41: {  	_ =	shalt  }
0x42: {  	_ =	shalt  }
0x43: {  	_ =	shalt  }
0x44: {  	_ =	shalt  }
0x45: {  	_ =	shalt  }
0x46: {  	_ =	shalt  }
0x47: {  	_ =	shalt  }
0x48: {  	_ =	shalt  }
0x49: {  	_ =	shalt  }
0x4a: {  	_ =	shalt  }
0x4b: {  	_ =	shalt  }
0x4c: {  	_ =	shalt  }
0x4d: {  	_ =	shalt  }
0x4e: {  	_ =	shalt  }
0x4f: {  	_ =	shalt  }
0x50: {  	_ =	shalt  }
0x51: {  	_ =	shalt  }
0x52: {  	_ =	shalt  }
0x53: {  	_ =	shalt  }
0x54: {  	_ =	shalt  }
0x55: {  	_ =	shalt  }
0x56: {  	_ =	shalt  }
0x57: {  	_ =	shalt  }
0x58: {  	_ =	shalt  }
0x59: {  	_ =	shalt  }
0x5a: {  	_ =	shalt  }
0x5b: {  	_ =	shalt  }
0x5c: {  	_ =	shalt  }
0x5d: {  	_ =	shalt  }
0x5e: {  	_ =	shalt  }
0x5f: {  	_ =	shalt  }
0x60: {  	_ =	shalt  }
0x61: {  	_ =	shalt  }
0x62: {  	_ =	shalt  }
0x63: {  	_ =	shalt  }
0x64: {  	_ =	shalt  }
0x65: {  	_ =	shalt  }
0x66: {  	_ =	shalt  }
0x67: {  	_ =	shalt  }
0x68: {  	_ =	shalt  }
0x69: {  	_ =	shalt  }
0x6a: {  	_ =	shalt  }
0x6b: {  	_ =	shalt  }
0x6c: {  	_ =	shalt  }
0x6d: {  	_ =	shalt  }
0x6e: {  	_ =	shalt  }
0x6f: {  	_ =	shalt  }
0x70: {  	_ =	shalt  }
0x71: {  	_ =	shalt  }
0x72: {  	_ =	shalt  }
0x73: {  	_ =	shalt  }
0x74: {  	_ =	shalt  }
0x75: {  	_ =	shalt  }
0x76: {  	_ =	shalt  }
0x77: {  	_ =	shalt  }
0x78: {  	_ =	shalt  }
0x79: {  	_ =	shalt  }
0x7a: {  	_ =	shalt  }
0x7b: {  	_ =	shalt  }
0x7c: {  	_ =	shalt  }
0x7d: {  	_ =	shalt  }
0x7e: {  	_ =	shalt  }
0x7f: {  	_ =	shalt  }
0x80: {  	_ =	shalt  }
0x81: {  	_ =	shalt  }
0x82: {  	_ =	shalt  }
0x83: {  	_ =	shalt  }
0x84: {  	_ =	shalt  }
0x85: {  	_ =	shalt  }
0x86: {  	_ =	shalt  }
0x87: {  	_ =	shalt  }
.Lfunc_end0:
.L_simem_size_0:
called_computation_lowered:
.L_overlay_start_0:
0x88: {  	s2 =	sld [smem:$0x3FD9]  }
0x89: {  	s3 =	sld [smem:$0x3FFE];
	_ =	sdelay $0x1  }
0x8a: {  	s1 =	srdreg.scid  }
0x8b: {  	s0 =	sand.u32 $0x1, s1  }
0x8c: {  	s17 =	sshll.u32 s0, $0xA;
	s2 =	sadd.s32 s3, s2  }
0x8d: {  	s2 =	sadd.s32 s2, s17  }
0x8e: {  	[smem:$0x3FC6] =	sst s2  }
0x8f: {  	_ = 	snop  }
0x90: {  	s2 =	sld [smem:$0x3FD0];
	(tm) =	ssettm $0x1  }
0x91: {  	s18 =	sld [smem:$0x3FFB];
	_ =	sdelay $0x3  }
0x92: {  	_ =	strace s18  }
0x93: {  	s3 =	sld [smem:$0x3FFC];
	_ =	sdelay $0x3  }
0x94: {  	_ =	strace s3  }
0x95: {  	s3 =	sld [smem:$0x3FFD];
	_ =	sdelay $0x3  }
0x96: {  	_ =	strace s3  }
0x97: {  	_ =	strace $0x8FFFFFFF  }
0x98: {  	s19 =	sld [smem:$0x3FDB];
	_ =	sdelay $0x1  }
0x99: {  	s4 =	simm.s32 $_scs_section_size  }
0x9a: {  	s5 =	simm.s32 $_size__tile_overlayer_lowered;
	s6 =	simm.s32 $_tile_overlayer_lowered  }
0x9b: {  	s22 =	simm.s32 $0x1BFF;
	s21 =	sshll.u32 s6, $0x1;
	s3 =	sadd.s32 s4, s19  }
0x9c: {  	s7 =	simm.s32 $0x0;
	s20 =	sshll.u32 s5, $0x1;
	s5 =	sadd.s32 s21, s3  }
0x9d: {  	[timem:s7], [sflag:s22] =	dma.local [hbm:s5], s20  }
0x9e: {  	_ =	swait.ge [sflag:s22], s20  }
0x9f: {  	s4 =	ssub.s32 $0x0, s20;
	[sflag:s22] =	ssyncset.done $0x0  }
0xa0: {  	[sflag:s22] =	ssyncadd.s32 s4;
	_ =	sdelay $0x1  }
0xa1: {  	s23 =	simm.s32 $0x1B8B  }
0xa2: {  	_ =	swait.ge [sflag:s23], $0x1  }
0xa3: {  	[sflag:s23] =	ssyncset.done $0x0  }
0xa4: {  	s25 =	simm.s32 $0x1B8E;
	s24 =	sld [smem:$0x3FFE];
	[sflag:s23] =	ssyncadd.s32 $0xFFFFFFFF  }
0xa5: {  	s26 =	simm.s32 $execute0_lowered;
	[smem:$0x3FD2] =	sst s25  }
0xa6: {  	s5 =	sshll.u32 s26, $0x1;
	_ =	strace $0x80000046;
	[dreg:$0x1] =	wrdreg $0xFFFFFFFF  }
0xa7: {  	s28 =	simm.s32 $_size_execute0_lowered;
	s3 =	sadd.s32 s3, s5;
	[dreg:$0x0] =	wrdreg $0x0  }
0xa8: {  	s5 =	sshll.u32 s28, $0x1;
	[dreg:$0x2] =	wrdreg s3  }
0xa9: {  	[dreg:$0x3] =	wrdreg s5  }
0xaa: {  	[dreg:$0x4] =	wrdreg $0xC0  }
0xab: {  	_ =	task [dreg:s7], $0x5FFFF  }
0xac: {  	[dreg:$0x1] =	wrdreg $0xFFFFFFFF  }
0xad: {  	[dreg:$0x0] =	wrdreg $0x60  }
0xae: {  	[dreg:$0x2] =	wrdreg s24  }
0xaf: {  	[dreg:$0x3] =	wrdreg s2  }
0xb0: {  	[dreg:$0x4] =	wrdreg $0x9  }
0xb1: {  	_ =	task.clear_ibuf [dreg:s7], $0x5FFFF;
	_ =	strace $0x90000046  }
0xb2: {  	s29 =	simm.s32 $0x9;
	_ =	strace $0x80000048  }
0xb3: {  	_ =	swait.ge [sflag:s29], $0x1  }
0xb4: {  	[sflag:s29] =	ssyncadd.s32 $0xFFFFFFFF  }
0xb5: {  	_ =	strace $0x90000048  }
0xb6: {  	_ =	sfence  }
0xb7: {  	s30 =	sld [smem:$0x0];
	_ =	sdelay $0x2  }
0xb8: {  	s31 =	sshll.u32 s1, $0xD;
	s1 =	sshrl.u32 s1, $0x2  }
0xb9: {  	s3 =	sand.u32 $0x4000, s31;
	s1 =	sadd.s32 s1, s30  }
0xba: {  	s0 =	sor.u32 s3, s0;
	s1 =	sshll.u32 s1, $0x11  }
0xbb: {  	s0 =	sor.u32 s1, s0  }
0xbc: {  	s0 =	sadd.s32 $0x8F2B, s0  }
0xbd: {  	[sflag:s0] =	ssyncadd.remote.s32 $0x1  }
0xbe: {  	_ =	sfence.sel $0xFFFF  }
0xbf: {  	[dreg:$0x0] =	wrdreg $0xFFFFFFFF;
	(pc) =	sbr.abs _section_cstart, $3  }
0xc0: {  	[dreg:$0x1] =	wrdreg $0xFFFFFFFF  }
0xc1: {  	_ =	task.clear_ibuf [dreg:s7], $0x2FFFF;
	_ =	strace $0x9FFFFFFF  }
0xc2: {  	(tm) =	ssettm $0x7FFFFFFF  }
0xc3: {  	_ =	shalt  }
tec
execute0_lowered:
.L_overlay_start_1:
0x0: {  	(tag) =	ssettag $0x1  }
0x1: {  	s4 =	rddreg [dreg:$0x0]  }
0x2: {  	s6 =	rddreg [dreg:$0x1]  }
0x3: {  	s0 =	rddreg [dreg:$0x2];
	s3 =	srdreg.scid  }
0x4: {  	s2 =	simm.s32 $0x0;
	s1 =	stileid.u32;
	s9 =	simm.s32 $0x800  }
0x5: {  	s10 =	simm.s32 $0x1000;
	s11 =	simm.s32 $0x1;
	s12 =	simm.s32 $0x0  }
0x6: {  	s3 =	sand.u32 $0x1, s3;
	[smem:$0x7FF] =	sst s2;
	s5 =	sshll.u32 s1, $0x9  }
0x7: {  	s7 =	sshll.u32 s3, $0x8;
	_ =	strace $0x80000047;
	s8 =	ssub.s32 $0x2, s3  }
0x8: {  	s3 =	sadd.s32 $0x4000, s4;
	s7 =	sor.u32 s7, s5;
	s31 =	sshrl.u32 s8, $0x1  }
0x9: {  	s4 =	sadd.s32 s4, s7;
	s8 =	ssub.s32 s8, s31;
	s6 =	sadd.s32 s6, s7  }
0xa: {  	s5 =	sadd.s32 $0x2000, s4;
	s7 =	smax.u32 s8, $0x1;
	s8 =	simm.s32 $0x2  }
.LBB2_1:
0xb: {  	[tilespmem:s2], [sflag:$0x2] =	stream.linear.gather [hbm4b:s4+s2], $0x800, $0x38;
	[tilespmem:$0x1800] =	vst v63  }
0xc: {  	_ =	swait.ge [sflag:s8], $0x800  }
0xd: {  	[sflag:s8] =	ssyncset.done $0x0  }
0xe: {  	[sflag:s8] =	ssyncadd.s32 $0xFFFFF800  }
0xf: {  	[tilespmem:s10], [sflag:$0x1] =	stream.indirect.gather [hbm4b:s3+s9], $0x1, s2, s9, $0xb8;
	[tilespmem:$0x1800] =	vst v63  }
0x10: {  	_ = 	snop  }
0x11: {  	[tilespmem:s9], [sflag:$0x2] =	stream.linear.gather [hbm4b:s5+s2], $0x800, $0x38;
	[tilespmem:$0x1800] =	vst v63  }
0x12: {  	_ =	swait.ge [sflag:s8], $0x800  }
0x13: {  	[sflag:s8] =	ssyncset.done $0x0  }
0x14: {  	[sflag:s8] =	ssyncadd.s32 $0xFFFFF800  }
0x15: {  	_ =	swait.ge [sflag:s11], $0x800  }
0x16: {  	[sflag:s11] =	ssyncset.done $0x0  }
0x17: {  	s13 =	simm.s32 $0x0;
	[sflag:s11] =	ssyncadd.s32 $0xFFFFF800  }
0x18: {  	s14 =	simm.s32 $0x40;
	v0 =	vld [tilespmem:s13+$0x800]  }
.LBB2_2:
0x19: {  	p0 =	sne.s32 s14, $0x1FC0;
	v1 =	vld [tilespmem:s13+$0x1000];
	_ =	sdelay $0x2  }
.Ltmp0:
0x1a: {  	(pc) =	sbr.rel @p0 .LBB2_2-.Ltmp0, $4  }
0x1b: {  	_ = 	snop  }
0x1c: {  	v1 =	vadd.f32 v0, v1  }
0x1d: {  	s15 =	sshra.s32 s14, $0x2  }
0x1e: {  	s14 =	sadd.s32 $0x40, s14;
	v0 =	vld [tilespmem:s15+$0x800];
	[tilespmem:s13+$0x1000] =	vst v1;
	s13 =	smov.u32 s15  }
0x1f: {  	v1 =	vld [tilespmem:s13+$0x1000];
	_ =	sdelay $0x4  }
0x20: {  	s12 =	sadd.s32 $0x1, s12;
	v0 =	vadd.f32 v0, v1  }
0x21: {  	p0 =	sne.s32 s12, s7  }
.Ltmp1:
0x22: {  	[tilespmem:s13+$0x1000] =	vst v0;
	(pc) =	sbr.rel @p0 .LBB2_1-.Ltmp1, $4  }
0x23: {  	[hbm4b:s6+s2] =	stream.linear.scatter [tilespmem:s10], [sflag:$0x2], $0x800, $0x38;
	[tilespmem:$0x1800] =	vst v63  }
0x24: {  	_ =	swait.ge [sflag:s8], $0x800  }
0x25: {  	[sflag:s8] =	ssyncset.done $0x0  }
0x26: {  	[sflag:s8] =	ssyncadd.s32 $0xFFFFF800  }
0x27: {  	_ =	sfence.sel $0x180000  }
0x28: {  	[bflag:$0x0] =	sbarrier.arrive $0xFFFF  }
0x29: {  	p0 =	sne.s32 s1, $0x0;
	_ =	strace $0x90000047  }
0x2a: {  	s0 =	sadd.s32 @!p0 $0x100000, s0;
	[bflag:$0x2] =	sbarrier.arrive $0xFFFF  }
0x2b: {  	[sflag:s0] =	ssyncadd.tile.s32 @!p0 $0x1;
	_ =	shalt  }
.Lfunc_end2:
_tile_overlayer_lowered:
.L_overlay_start_2:
0x2c: {  	(tag) =	ssettag $0x2  }
0x2d: {  	s0 =	rddreg [dreg:$0x0];
	s2 =	stileid.u32  }
0x2e: {  	s1 =	rddreg [dreg:$0x1];
	p0 =	sne.s32 s2, $0x0  }
0x2f: {  	s3 =	rddreg [dreg:$0x2];
	[bflag:$0x3] =	sbarrier.arrive $0xFFFF;
	s2 =	simm.s32 @!p0 $0x1C02  }
0x30: {  	[timem:s3], [sflag:s2] =	dma.local @!p0 [hbm:s0], s1  }
0x31: {  	s0 =	simm.s32 @!p0 $0x2  }
0x32: {  	_ =	swait.ge @!p0 [sflag:s0], s1  }
0x33: {  	s1 =	ssub.s32 @!p0 $0x0, s1;
	[sflag:s0] =	ssyncset.done @!p0 $0x0  }
0x34: {  	[sflag:s0] =	ssyncadd.s32 @!p0 s1  }
0x35: {  	[bflag:$0x3] =	sbarrier.arrive $0xFFFF  }
0x36: {  	_ =	shalt  }

</sc_bundles>
